<compile_context>
chip_gen: v7x
topology: tpu7x:2x2x1
jax: 0.10.2.dev20260603
libtpu: 0.0.44.dev20260713+nightly
codegen_flags: <defaults>
</compile_context>

<pallas_src>
import functools

import jax
import jax.numpy as jnp
from jax import lax
from jax.experimental import pallas as pl
from jax.experimental.pallas import tpu as pltpu
from jax.experimental.pallas import tpu_sc as plsc

VOCAB = 100000
EMBED_DIM = 32
HIDDEN = 128
BATCH = 1024
CTX = 200

_L = 16


_C0 = 128
_C1 = CTX - _C0


def _sc_pool_kernel(
    emb_hbm, idx_hbm, out_hbm, idx0_v, idx1_v, rows0_v, rows1_v, pooled_v, sem
):
    nc = 2
    b_per_w = BATCH // 32
    wid = lax.axis_index("s") * nc + lax.axis_index("c")
    base = wid * b_per_w

    inv = jnp.full((_L,), 1.0 / CTX, dtype=jnp.float32)

    def row_body(i, _):
        row = base + i
        pltpu.sync_copy(idx_hbm.at[row, pl.ds(0, _C0)], idx0_v)
        pltpu.sync_copy(idx_hbm.at[row, pl.ds(_C0, _C1)], idx1_v)
        pltpu.async_copy(emb_hbm.at[idx0_v], rows0_v, sem).wait()
        pltpu.async_copy(emb_hbm.at[idx1_v], rows1_v, sem).wait()

        def acc0_body(j, carry):
            a0, a1 = carry
            for u in range(8):
                r = j * 8 + u
                a0 = a0 + rows0_v[r, 0:_L]
                a1 = a1 + rows0_v[r, _L : 2 * _L]
            return (a0, a1)

        def acc1_body(j, carry):
            a0, a1 = carry
            for u in range(8):
                r = j * 8 + u
                a0 = a0 + rows1_v[r, 0:_L]
                a1 = a1 + rows1_v[r, _L : 2 * _L]
            return (a0, a1)

        z = jnp.zeros((_L,), dtype=jnp.float32)
        a0, a1 = lax.fori_loop(0, _C0 // 8, acc0_body, (z, z))
        a0, a1 = lax.fori_loop(0, _C1 // 8, acc1_body, (a0, a1))
        pooled_v[i, 0:_L] = a0 * inv
        pooled_v[i, _L : 2 * _L] = a1 * inv
        return 0

    lax.fori_loop(0, b_per_w, row_body, 0)
    pltpu.sync_copy(pooled_v, out_hbm.at[pl.ds(base, b_per_w)])


def _sc_pool(emb, idx):
    b_per_w = BATCH // 32
    mesh = plsc.VectorSubcoreMesh(core_axis_name="c", subcore_axis_name="s")
    return pl.kernel(
        _sc_pool_kernel,
        mesh=mesh,
        out_type=jax.ShapeDtypeStruct((BATCH, EMBED_DIM), jnp.float32),
        scratch_types=[
            pltpu.VMEM((_C0,), jnp.int32),
            pltpu.VMEM((_C1,), jnp.int32),
            pltpu.VMEM((_C0, EMBED_DIM), jnp.float32),
            pltpu.VMEM((_C1, EMBED_DIM), jnp.float32),
            pltpu.VMEM((b_per_w, EMBED_DIM), jnp.float32),
            pltpu.SemaphoreType.DMA,
        ],
        compiler_params=pltpu.CompilerParams(use_tc_tiling_on_sc=False),
    )(emb, idx)


def _mlp_block(pooled_ref, w1_ref, b1_ref, w2_ref, b2_ref, out_ref, h_ref):
    @pl.when(pl.program_id(0) == 0)
    def _():
        h = (
            jnp.dot(pooled_ref[...], w1_ref[...], preferred_element_type=jnp.float32)
            + b1_ref[...]
        )
        h_ref[...] = jnp.maximum(h, 0.0)

    out_ref[...] = (
        jnp.dot(h_ref[...], w2_ref[...], preferred_element_type=jnp.float32)
        + b2_ref[...]
    )


def _tc_mlp(pooled, W1, b1, W2, b2):
    tw = 2048
    grid = (pl.cdiv(VOCAB, tw),)
    return pl.pallas_call(
        _mlp_block,
        grid=grid,
        in_specs=[
            pl.BlockSpec((BATCH, EMBED_DIM), lambda j: (0, 0)),
            pl.BlockSpec((EMBED_DIM, HIDDEN), lambda j: (0, 0)),
            pl.BlockSpec((1, HIDDEN), lambda j: (0, 0)),
            pl.BlockSpec((HIDDEN, tw), lambda j: (0, j)),
            pl.BlockSpec((1, tw), lambda j: (0, j)),
        ],
        out_specs=pl.BlockSpec((BATCH, tw), lambda j: (0, j)),
        out_shape=jax.ShapeDtypeStruct((BATCH, VOCAB), jnp.float32),
        scratch_shapes=[pltpu.VMEM((BATCH, HIDDEN), jnp.float32)],
        compiler_params=pltpu.CompilerParams(
            dimension_semantics=("arbitrary",),
        ),
    )(pooled, W1, b1.reshape(1, HIDDEN), W2, b2.reshape(1, VOCAB))


def kernel(inputs, emb, W1, b1, W2, b2):
    pooled = _sc_pool(emb, inputs.astype(jnp.int32))
    return _tc_mlp(pooled, W1, b1, W2, b2)

# --- scband reference (transcript-rebuilt; emitter-appended) ---
"""Pipeline reference for scband-cbow-37778532335718 (READ-ONLY COPY).

The authoritative reference and input builder live on the scoring server;
editing this copy changes nothing except your own understanding.
"""

import jax, jax.numpy as jnp
import numpy as np

VOCAB = 100000
EMBED_DIM = 32
HIDDEN = 128
BATCH = 1024
CTX = 200


def setup_inputs(seed: int = 0) -> dict:
    key = jax.random.key(seed)
    k1, k2, k3, k4, k5, k6 = jax.random.split(key, 6)
    inputs = jax.random.randint(k1, (BATCH, CTX), 0, VOCAB, dtype=jnp.int64 if jax.config.jax_enable_x64 else jnp.int32)
    emb = jax.random.normal(k2, (VOCAB, EMBED_DIM), dtype=jnp.float32)
    W1 = jax.random.normal(k3, (EMBED_DIM, HIDDEN), dtype=jnp.float32) * (1.0 / np.sqrt(EMBED_DIM))
    b1 = jax.random.normal(k4, (HIDDEN,), dtype=jnp.float32) * 0.01
    W2 = jax.random.normal(k5, (HIDDEN, VOCAB), dtype=jnp.float32) * (1.0 / np.sqrt(HIDDEN))
    b2 = jax.random.normal(k6, (VOCAB,), dtype=jnp.float32) * 0.01
    return {"inputs": inputs, "emb": emb, "W1": W1, "b1": b1, "W2": W2, "b2": b2}


def reference(inputs, emb, W1, b1, W2, b2):
    # embedding lookup (gather) + mean over context dim
    embeds = jnp.take(emb, inputs, axis=0).mean(axis=1)  # [B, EMBED_DIM]
    h = jnp.maximum(embeds @ W1 + b1, 0.0)               # relu(linear1)
    out = h @ W2 + b2                                     # linear2 -> vocab logits
    return out

if __name__ == "__main__":
    import jax
    _d = setup_inputs()
    print(jax.jit(kernel)(*tuple(_d.values())))

</pallas_src>

<mosaic_0001>
#map = affine_map<(d0, d1) -> (0, 0)>
module attributes {stable_mosaic.version = 14 : i64} {
  func.func @_sc_pool_kernel(%arg0: i32, %arg1: i32, %arg2: memref<100000x32xf32, #tpu.memory_space<hbm>>, %arg3: memref<1024x200xi32, #tpu.memory_space<hbm>>, %arg4: memref<1024x32xf32, #tpu.memory_space<hbm>>, %arg5: memref<128xi32, #tpu.memory_space<vmem>>, %arg6: memref<72xi32, #tpu.memory_space<vmem>>, %arg7: memref<128x32xf32, #tpu.memory_space<vmem>>, %arg8: memref<72x32xf32, #tpu.memory_space<vmem>>, %arg9: memref<32x32xf32, #tpu.memory_space<vmem>>, %arg10: memref<!tpu.dma_semaphore, #tpu.memory_space<semaphore_mem>>) attributes {dimension_semantics = [#tpu.dimension_semantics<core_parallel>, #tpu.dimension_semantics<subcore_parallel>], iteration_bounds = array<i64: 2, 16>, scalar_prefetch = 0 : i64, scratch_operands = 6 : i64, tpu.core_type = #tpu.core_type<sc_vector_subcore>, window_params = [{transform_indices = #map}, {transform_indices = #map}, {transform_indices = #map}]} {
    %mul3A = arith.constant 2 : i32
    %mul3A_0 = arith.muli %arg1, %mul3A : i32
    %add3A = arith.addi %mul3A_0, %arg0 : i32
    %mul3A_1 = arith.constant 32 : i32
    %mul3A_2 = arith.muli %add3A, %mul3A_1 : i32
    %broadcast_in_dim3A = arith.constant 5.000000e-03 : f32
    %broadcast_in_dim3A_3 = vector.broadcast %broadcast_in_dim3A : f32 to vector<16xf32>
    %scan3A = arith.constant 0 : i32
    %scan3A_4 = arith.constant 0 : i32
    %scan3A_5 = arith.constant 32 : i32
    %scan3A_6 = arith.addi %scan3A_4, %scan3A_5 : i32
    %scan3A_7 = arith.constant 1 : i32
    %scan3A_8 = scf.for %scan3A_10 = %scan3A_4 to %scan3A_6 step %scan3A_7 iter_args(%scan3A_11 = %scan3A) -> (i32)  : i32 {
      %add3A_12 = arith.addi %mul3A_2, %scan3A_10 : i32
      "tpu.region"() ({
        %run_scoped3A = tpu.sem_alloc : memref<!tpu.dma_semaphore, #tpu.memory_space<semaphore_mem>>
        %dma_start3A_49 = arith.constant 0 : i32
        %dma_start3A_50 = tpu.memref_slice %arg3[%add3A_12, %dma_start3A_49] : memref<1024x200xi32, #tpu.memory_space<hbm>> -> memref<1x128xi32, #tpu.memory_space<hbm>>
        %dma_start3A_51 = tpu.memref_squeeze %dma_start3A_50 : memref<1x128xi32, #tpu.memory_space<hbm>> -> memref<128xi32, #tpu.memory_space<hbm>>
        %dma_start3A_52 = arith.constant 0 : i32
        %dma_start3A_53 = tpu.memref_slice %arg3[%add3A_12, %dma_start3A_52] : memref<1024x200xi32, #tpu.memory_space<hbm>> -> memref<1x128xi32, #tpu.memory_space<hbm>>
        %dma_start3A_54 = tpu.memref_squeeze %dma_start3A_53 : memref<1x128xi32, #tpu.memory_space<hbm>> -> memref<128xi32, #tpu.memory_space<hbm>>
        tpu.enqueue_dma source(%dma_start3A_54 : memref<128xi32, #tpu.memory_space<hbm>>) target(%arg5 : memref<128xi32, #tpu.memory_space<vmem>>) target_semaphore(%run_scoped3A : memref<!tpu.dma_semaphore, #tpu.memory_space<semaphore_mem>>)
        %dma_wait3A_55 = arith.constant 0 : i32
        %dma_wait3A_56 = tpu.memref_slice %arg3[%add3A_12, %dma_wait3A_55] : memref<1024x200xi32, #tpu.memory_space<hbm>> -> memref<1x128xi32, #tpu.memory_space<hbm>>
        %dma_wait3A_57 = tpu.memref_squeeze %dma_wait3A_56 : memref<1x128xi32, #tpu.memory_space<hbm>> -> memref<128xi32, #tpu.memory_space<hbm>>
        %dma_wait3A_58 = arith.constant 0 : i32
        %dma_wait3A_59 = tpu.memref_slice %arg3[%add3A_12, %dma_wait3A_58] : memref<1024x200xi32, #tpu.memory_space<hbm>> -> memref<1x128xi32, #tpu.memory_space<hbm>>
        %dma_wait3A_60 = tpu.memref_squeeze %dma_wait3A_59 : memref<1x128xi32, #tpu.memory_space<hbm>> -> memref<128xi32, #tpu.memory_space<hbm>>
        tpu.wait_dma2 semaphore(%run_scoped3A : memref<!tpu.dma_semaphore, #tpu.memory_space<semaphore_mem>>) src(%dma_wait3A_60 : memref<128xi32, #tpu.memory_space<hbm>>) dst(%arg5 : memref<128xi32, #tpu.memory_space<vmem>>)
        tpu.yield
      }) : () -> ()
      "tpu.region"() ({
        %run_scoped3A = tpu.sem_alloc : memref<!tpu.dma_semaphore, #tpu.memory_space<semaphore_mem>>
        %dma_start3A_49 = arith.constant 128 : i32
        %dma_start3A_50 = tpu.memref_slice %arg3[%add3A_12, %dma_start3A_49] : memref<1024x200xi32, #tpu.memory_space<hbm>> -> memref<1x72xi32, #tpu.memory_space<hbm>>
        %dma_start3A_51 = tpu.memref_squeeze %dma_start3A_50 : memref<1x72xi32, #tpu.memory_space<hbm>> -> memref<72xi32, #tpu.memory_space<hbm>>
        %dma_start3A_52 = arith.constant 128 : i32
        %dma_start3A_53 = tpu.memref_slice %arg3[%add3A_12, %dma_start3A_52] : memref<1024x200xi32, #tpu.memory_space<hbm>> -> memref<1x72xi32, #tpu.memory_space<hbm>>
        %dma_start3A_54 = tpu.memref_squeeze %dma_start3A_53 : memref<1x72xi32, #tpu.memory_space<hbm>> -> memref<72xi32, #tpu.memory_space<hbm>>
        tpu.enqueue_dma source(%dma_start3A_54 : memref<72xi32, #tpu.memory_space<hbm>>) target(%arg6 : memref<72xi32, #tpu.memory_space<vmem>>) target_semaphore(%run_scoped3A : memref<!tpu.dma_semaphore, #tpu.memory_space<semaphore_mem>>)
        %dma_wait3A_55 = arith.constant 128 : i32
        %dma_wait3A_56 = tpu.memref_slice %arg3[%add3A_12, %dma_wait3A_55] : memref<1024x200xi32, #tpu.memory_space<hbm>> -> memref<1x72xi32, #tpu.memory_space<hbm>>
        %dma_wait3A_57 = tpu.memref_squeeze %dma_wait3A_56 : memref<1x72xi32, #tpu.memory_space<hbm>> -> memref<72xi32, #tpu.memory_space<hbm>>
        %dma_wait3A_58 = arith.constant 128 : i32
        %dma_wait3A_59 = tpu.memref_slice %arg3[%add3A_12, %dma_wait3A_58] : memref<1024x200xi32, #tpu.memory_space<hbm>> -> memref<1x72xi32, #tpu.memory_space<hbm>>
        %dma_wait3A_60 = tpu.memref_squeeze %dma_wait3A_59 : memref<1x72xi32, #tpu.memory_space<hbm>> -> memref<72xi32, #tpu.memory_space<hbm>>
        tpu.wait_dma2 semaphore(%run_scoped3A : memref<!tpu.dma_semaphore, #tpu.memory_space<semaphore_mem>>) src(%dma_wait3A_60 : memref<72xi32, #tpu.memory_space<hbm>>) dst(%arg6 : memref<72xi32, #tpu.memory_space<vmem>>)
        tpu.yield
      }) : () -> ()
      %dma_start3A = arith.constant 0 : i32
      %dma_start3A_13 = arith.constant 0 : i32
      %dma_start3A_14 = tpu.memref_slice %arg2[%dma_start3A, %dma_start3A_13] : memref<100000x32xf32, #tpu.memory_space<hbm>> -> memref<100000x32xf32, #tpu.memory_space<hbm>>
      tpu.enqueue_indirect_dma source(%dma_start3A_14 : memref<100000x32xf32, #tpu.memory_space<hbm>>) target(%arg7 : memref<128x32xf32, #tpu.memory_space<vmem>>) offsets(%arg5 : memref<128xi32, #tpu.memory_space<vmem>>) semaphore(%arg10 : memref<!tpu.dma_semaphore, #tpu.memory_space<semaphore_mem>>)
      %dma_wait3A = arith.constant 0 : i32
      %dma_wait3A_15 = arith.constant 0 : i32
      %dma_wait3A_16 = tpu.memref_slice %arg2[%dma_wait3A, %dma_wait3A_15] : memref<100000x32xf32, #tpu.memory_space<hbm>> -> memref<100000x32xf32, #tpu.memory_space<hbm>>
      tpu.wait_indirect_dma semaphore(%arg10 : memref<!tpu.dma_semaphore, #tpu.memory_space<semaphore_mem>>) src(%dma_wait3A_16 : memref<100000x32xf32, #tpu.memory_space<hbm>>) dst(%arg7 : memref<128x32xf32, #tpu.memory_space<vmem>>)
      %dma_start3A_17 = arith.constant 0 : i32
      %dma_start3A_18 = arith.constant 0 : i32
      %dma_start3A_19 = tpu.memref_slice %arg2[%dma_start3A_17, %dma_start3A_18] : memref<100000x32xf32, #tpu.memory_space<hbm>> -> memref<100000x32xf32, #tpu.memory_space<hbm>>
      tpu.enqueue_indirect_dma source(%dma_start3A_19 : memref<100000x32xf32, #tpu.memory_space<hbm>>) target(%arg8 : memref<72x32xf32, #tpu.memory_space<vmem>>) offsets(%arg6 : memref<72xi32, #tpu.memory_space<vmem>>) semaphore(%arg10 : memref<!tpu.dma_semaphore, #tpu.memory_space<semaphore_mem>>)
      %dma_wait3A_20 = arith.constant 0 : i32
      %dma_wait3A_21 = arith.constant 0 : i32
      %dma_wait3A_22 = tpu.memref_slice %arg2[%dma_wait3A_20, %dma_wait3A_21] : memref<100000x32xf32, #tpu.memory_space<hbm>> -> memref<100000x32xf32, #tpu.memory_space<hbm>>
      tpu.wait_indirect_dma semaphore(%arg10 : memref<!tpu.dma_semaphore, #tpu.memory_space<semaphore_mem>>) src(%dma_wait3A_22 : memref<100000x32xf32, #tpu.memory_space<hbm>>) dst(%arg8 : memref<72x32xf32, #tpu.memory_space<vmem>>)
      %broadcast_in_dim3A_23 = arith.constant 0.000000e+00 : f32
      %broadcast_in_dim3A_24 = vector.broadcast %broadcast_in_dim3A_23 : f32 to vector<16xf32>
      %scan3A_25 = arith.constant 0 : i32
      %scan3A_26 = arith.constant 16 : i32
      %scan3A_27 = arith.addi %scan3A_25, %scan3A_26 : i32
      %scan3A_28 = arith.constant 1 : i32
      %scan3A_29:2 = scf.for %scan3A_49 = %scan3A_25 to %scan3A_27 step %scan3A_28 iter_args(%scan3A_50 = %broadcast_in_dim3A_24, %scan3A_51 = %broadcast_in_dim3A_24) -> (vector<16xf32>, vector<16xf32>)  : i32 {
        %mul3A_52 = arith.constant 8 : i32
        %mul3A_53 = arith.muli %scan3A_49, %mul3A_52 : i32
        %add3A_54 = arith.constant 0 : i32
        %add3A_55 = arith.addi %mul3A_53, %add3A_54 : i32
        %get3A = arith.index_cast %add3A_55 : i32 to index
        %get3A_56 = arith.constant 0 : index
        %get3A_57 = tpu.vector_load %arg7[%get3A, %get3A_56] {strides = array<i32>} : memref<128x32xf32, #tpu.memory_space<vmem>>, vector<1x16xf32>,
        %get3A_58 = vector.shape_cast %get3A_57 : vector<1x16xf32> to vector<16xf32>
        %add3A_59 = arith.addf %scan3A_50, %get3A_58 : vector<16xf32>
        %get3A_60 = arith.index_cast %add3A_55 : i32 to index
        %get3A_61 = arith.constant 16 : index
        %get3A_62 = tpu.vector_load %arg7[%get3A_60, %get3A_61] {strides = array<i32>} : memref<128x32xf32, #tpu.memory_space<vmem>>, vector<1x16xf32>,
        %get3A_63 = vector.shape_cast %get3A_62 : vector<1x16xf32> to vector<16xf32>
        %add3A_64 = arith.addf %scan3A_51, %get3A_63 : vector<16xf32>
        %mul3A_65 = arith.constant 8 : i32
        %mul3A_66 = arith.muli %scan3A_49, %mul3A_65 : i32
        %add3A_67 = arith.constant 1 : i32
        %add3A_68 = arith.addi %mul3A_66, %add3A_67 : i32
        %get3A_69 = arith.index_cast %add3A_68 : i32 to index
        %get3A_70 = arith.constant 0 : index
        %get3A_71 = tpu.vector_load %arg7[%get3A_69, %get3A_70] {strides = array<i32>} : memref<128x32xf32, #tpu.memory_space<vmem>>, vector<1x16xf32>,
        %get3A_72 = vector.shape_cast %get3A_71 : vector<1x16xf32> to vector<16xf32>
        %add3A_73 = arith.addf %add3A_59, %get3A_72 : vector<16xf32>
        %get3A_74 = arith.index_cast %add3A_68 : i32 to index
        %get3A_75 = arith.constant 16 : index
        %get3A_76 = tpu.vector_load %arg7[%get3A_74, %get3A_75] {strides = array<i32>} : memref<128x32xf32, #tpu.memory_space<vmem>>, vector<1x16xf32>,
        %get3A_77 = vector.shape_cast %get3A_76 : vector<1x16xf32> to vector<16xf32>
        %add3A_78 = arith.addf %add3A_64, %get3A_77 : vector<16xf32>
        %mul3A_79 = arith.constant 8 : i32
        %mul3A_80 = arith.muli %scan3A_49, %mul3A_79 : i32
        %add3A_81 = arith.constant 2 : i32
        %add3A_82 = arith.addi %mul3A_80, %add3A_81 : i32
        %get3A_83 = arith.index_cast %add3A_82 : i32 to index
        %get3A_84 = arith.constant 0 : index
        %get3A_85 = tpu.vector_load %arg7[%get3A_83, %get3A_84] {strides = array<i32>} : memref<128x32xf32, #tpu.memory_space<vmem>>, vector<1x16xf32>,
        %get3A_86 = vector.shape_cast %get3A_85 : vector<1x16xf32> to vector<16xf32>
        %add3A_87 = arith.addf %add3A_73, %get3A_86 : vector<16xf32>
        %get3A_88 = arith.index_cast %add3A_82 : i32 to index
        %get3A_89 = arith.constant 16 : index
        %get3A_90 = tpu.vector_load %arg7[%get3A_88, %get3A_89] {strides = array<i32>} : memref<128x32xf32, #tpu.memory_space<vmem>>, vector<1x16xf32>,
        %get3A_91 = vector.shape_cast %get3A_90 : vector<1x16xf32> to vector<16xf32>
        %add3A_92 = arith.addf %add3A_78, %get3A_91 : vector<16xf32>
        %mul3A_93 = arith.constant 8 : i32
        %mul3A_94 = arith.muli %scan3A_49, %mul3A_93 : i32
        %add3A_95 = arith.constant 3 : i32
        %add3A_96 = arith.addi %mul3A_94, %add3A_95 : i32
        %get3A_97 = arith.index_cast %add3A_96 : i32 to index
        %get3A_98 = arith.constant 0 : index
        %get3A_99 = tpu.vector_load %arg7[%get3A_97, %get3A_98] {strides = array<i32>} : memref<128x32xf32, #tpu.memory_space<vmem>>, vector<1x16xf32>,
        %get3A_100 = vector.shape_cast %get3A_99 : vector<1x16xf32> to vector<16xf32>
        %add3A_101 = arith.addf %add3A_87, %get3A_100 : vector<16xf32>
        %get3A_102 = arith.index_cast %add3A_96 : i32 to index
        %get3A_103 = arith.constant 16 : index
        %get3A_104 = tpu.vector_load %arg7[%get3A_102, %get3A_103] {strides = array<i32>} : memref<128x32xf32, #tpu.memory_space<vmem>>, vector<1x16xf32>,
        %get3A_105 = vector.shape_cast %get3A_104 : vector<1x16xf32> to vector<16xf32>
        %add3A_106 = arith.addf %add3A_92, %get3A_105 : vector<16xf32>
        %mul3A_107 = arith.constant 8 : i32
        %mul3A_108 = arith.muli %scan3A_49, %mul3A_107 : i32
        %add3A_109 = arith.constant 4 : i32
        %add3A_110 = arith.addi %mul3A_108, %add3A_109 : i32
        %get3A_111 = arith.index_cast %add3A_110 : i32 to index
        %get3A_112 = arith.constant 0 : index
        %get3A_113 = tpu.vector_load %arg7[%get3A_111, %get3A_112] {strides = array<i32>} : memref<128x32xf32, #tpu.memory_space<vmem>>, vector<1x16xf32>,
        %get3A_114 = vector.shape_cast %get3A_113 : vector<1x16xf32> to vector<16xf32>
        %add3A_115 = arith.addf %add3A_101, %get3A_114 : vector<16xf32>
        %get3A_116 = arith.index_cast %add3A_110 : i32 to index
        %get3A_117 = arith.constant 16 : index
        %get3A_118 = tpu.vector_load %arg7[%get3A_116, %get3A_117] {strides = array<i32>} : memref<128x32xf32, #tpu.memory_space<vmem>>, vector<1x16xf32>,
        %get3A_119 = vector.shape_cast %get3A_118 : vector<1x16xf32> to vector<16xf32>
        %add3A_120 = arith.addf %add3A_106, %get3A_119 : vector<16xf32>
        %mul3A_121 = arith.constant 8 : i32
        %mul3A_122 = arith.muli %scan3A_49, %mul3A_121 : i32
        %add3A_123 = arith.constant 5 : i32
        %add3A_124 = arith.addi %mul3A_122, %add3A_123 : i32
        %get3A_125 = arith.index_cast %add3A_124 : i32 to index
        %get3A_126 = arith.constant 0 : index
        %get3A_127 = tpu.vector_load %arg7[%get3A_125, %get3A_126] {strides = array<i32>} : memref<128x32xf32, #tpu.memory_space<vmem>>, vector<1x16xf32>,
        %get3A_128 = vector.shape_cast %get3A_127 : vector<1x16xf32> to vector<16xf32>
        %add3A_129 = arith.addf %add3A_115, %get3A_128 : vector<16xf32>
        %get3A_130 = arith.index_cast %add3A_124 : i32 to index
        %get3A_131 = arith.constant 16 : index
        %get3A_132 = tpu.vector_load %arg7[%get3A_130, %get3A_131] {strides = array<i32>} : memref<128x32xf32, #tpu.memory_space<vmem>>, vector<1x16xf32>,
        %get3A_133 = vector.shape_cast %get3A_132 : vector<1x16xf32> to vector<16xf32>
        %add3A_134 = arith.addf %add3A_120, %get3A_133 : vector<16xf32>
        %mul3A_135 = arith.constant 8 : i32
        %mul3A_136 = arith.muli %scan3A_49, %mul3A_135 : i32
        %add3A_137 = arith.constant 6 : i32
        %add3A_138 = arith.addi %mul3A_136, %add3A_137 : i32
        %get3A_139 = arith.index_cast %add3A_138 : i32 to index
        %get3A_140 = arith.constant 0 : index
        %get3A_141 = tpu.vector_load %arg7[%get3A_139, %get3A_140] {strides = array<i32>} : memref<128x32xf32, #tpu.memory_space<vmem>>, vector<1x16xf32>,
        %get3A_142 = vector.shape_cast %get3A_141 : vector<1x16xf32> to vector<16xf32>
        %add3A_143 = arith.addf %add3A_129, %get3A_142 : vector<16xf32>
        %get3A_144 = arith.index_cast %add3A_138 : i32 to index
        %get3A_145 = arith.constant 16 : index
        %get3A_146 = tpu.vector_load %arg7[%get3A_144, %get3A_145] {strides = array<i32>} : memref<128x32xf32, #tpu.memory_space<vmem>>, vector<1x16xf32>,
        %get3A_147 = vector.shape_cast %get3A_146 : vector<1x16xf32> to vector<16xf32>
        %add3A_148 = arith.addf %add3A_134, %get3A_147 : vector<16xf32>
        %mul3A_149 = arith.constant 8 : i32
        %mul3A_150 = arith.muli %scan3A_49, %mul3A_149 : i32
        %add3A_151 = arith.constant 7 : i32
        %add3A_152 = arith.addi %mul3A_150, %add3A_151 : i32
        %get3A_153 = arith.index_cast %add3A_152 : i32 to index
        %get3A_154 = arith.constant 0 : index
        %get3A_155 = tpu.vector_load %arg7[%get3A_153, %get3A_154] {strides = array<i32>} : memref<128x32xf32, #tpu.memory_space<vmem>>, vector<1x16xf32>,
        %get3A_156 = vector.shape_cast %get3A_155 : vector<1x16xf32> to vector<16xf32>
        %add3A_157 = arith.addf %add3A_143, %get3A_156 : vector<16xf32>
        %get3A_158 = arith.index_cast %add3A_152 : i32 to index
        %get3A_159 = arith.constant 16 : index
        %get3A_160 = tpu.vector_load %arg7[%get3A_158, %get3A_159] {strides = array<i32>} : memref<128x32xf32, #tpu.memory_space<vmem>>, vector<1x16xf32>,
        %get3A_161 = vector.shape_cast %get3A_160 : vector<1x16xf32> to vector<16xf32>
        %add3A_162 = arith.addf %add3A_148, %get3A_161 : vector<16xf32>
        scf.yield %add3A_157, %add3A_162 : vector<16xf32>, vector<16xf32>
      }
      %scan3A_30 = arith.constant 16 : i32
      %scan3A_31 = arith.constant 0 : i32
      %scan3A_32 = arith.constant 9 : i32
      %scan3A_33 = arith.addi %scan3A_31, %scan3A_32 : i32
      %scan3A_34 = arith.constant 1 : i32
      %scan3A_35:2 = scf.for %scan3A_49 = %scan3A_31 to %scan3A_33 step %scan3A_34 iter_args(%scan3A_50 = %scan3A_29#0, %scan3A_51 = %scan3A_29#1) -> (vector<16xf32>, vector<16xf32>)  : i32 {
        %mul3A_52 = arith.constant 8 : i32
        %mul3A_53 = arith.muli %scan3A_49, %mul3A_52 : i32
        %add3A_54 = arith.constant 0 : i32
        %add3A_55 = arith.addi %mul3A_53, %add3A_54 : i32
        %get3A = arith.index_cast %add3A_55 : i32 to index
        %get3A_56 = arith.constant 0 : index
        %get3A_57 = tpu.vector_load %arg8[%get3A, %get3A_56] {strides = array<i32>} : memref<72x32xf32, #tpu.memory_space<vmem>>, vector<1x16xf32>,
        %get3A_58 = vector.shape_cast %get3A_57 : vector<1x16xf32> to vector<16xf32>
        %add3A_59 = arith.addf %scan3A_50, %get3A_58 : vector<16xf32>
        %get3A_60 = arith.index_cast %add3A_55 : i32 to index
        %get3A_61 = arith.constant 16 : index
        %get3A_62 = tpu.vector_load %arg8[%get3A_60, %get3A_61] {strides = array<i32>} : memref<72x32xf32, #tpu.memory_space<vmem>>, vector<1x16xf32>,
        %get3A_63 = vector.shape_cast %get3A_62 : vector<1x16xf32> to vector<16xf32>
        %add3A_64 = arith.addf %scan3A_51, %get3A_63 : vector<16xf32>
        %mul3A_65 = arith.constant 8 : i32
        %mul3A_66 = arith.muli %scan3A_49, %mul3A_65 : i32
        %add3A_67 = arith.constant 1 : i32
        %add3A_68 = arith.addi %mul3A_66, %add3A_67 : i32
        %get3A_69 = arith.index_cast %add3A_68 : i32 to index
        %get3A_70 = arith.constant 0 : index
        %get3A_71 = tpu.vector_load %arg8[%get3A_69, %get3A_70] {strides = array<i32>} : memref<72x32xf32, #tpu.memory_space<vmem>>, vector<1x16xf32>,
        %get3A_72 = vector.shape_cast %get3A_71 : vector<1x16xf32> to vector<16xf32>
        %add3A_73 = arith.addf %add3A_59, %get3A_72 : vector<16xf32>
        %get3A_74 = arith.index_cast %add3A_68 : i32 to index
        %get3A_75 = arith.constant 16 : index
        %get3A_76 = tpu.vector_load %arg8[%get3A_74, %get3A_75] {strides = array<i32>} : memref<72x32xf32, #tpu.memory_space<vmem>>, vector<1x16xf32>,
        %get3A_77 = vector.shape_cast %get3A_76 : vector<1x16xf32> to vector<16xf32>
        %add3A_78 = arith.addf %add3A_64, %get3A_77 : vector<16xf32>
        %mul3A_79 = arith.constant 8 : i32
        %mul3A_80 = arith.muli %scan3A_49, %mul3A_79 : i32
        %add3A_81 = arith.constant 2 : i32
        %add3A_82 = arith.addi %mul3A_80, %add3A_81 : i32
        %get3A_83 = arith.index_cast %add3A_82 : i32 to index
        %get3A_84 = arith.constant 0 : index
        %get3A_85 = tpu.vector_load %arg8[%get3A_83, %get3A_84] {strides = array<i32>} : memref<72x32xf32, #tpu.memory_space<vmem>>, vector<1x16xf32>,
        %get3A_86 = vector.shape_cast %get3A_85 : vector<1x16xf32> to vector<16xf32>
        %add3A_87 = arith.addf %add3A_73, %get3A_86 : vector<16xf32>
        %get3A_88 = arith.index_cast %add3A_82 : i32 to index
        %get3A_89 = arith.constant 16 : index
        %get3A_90 = tpu.vector_load %arg8[%get3A_88, %get3A_89] {strides = array<i32>} : memref<72x32xf32, #tpu.memory_space<vmem>>, vector<1x16xf32>,
        %get3A_91 = vector.shape_cast %get3A_90 : vector<1x16xf32> to vector<16xf32>
        %add3A_92 = arith.addf %add3A_78, %get3A_91 : vector<16xf32>
        %mul3A_93 = arith.constant 8 : i32
        %mul3A_94 = arith.muli %scan3A_49, %mul3A_93 : i32
        %add3A_95 = arith.constant 3 : i32
        %add3A_96 = arith.addi %mul3A_94, %add3A_95 : i32
        %get3A_97 = arith.index_cast %add3A_96 : i32 to index
        %get3A_98 = arith.constant 0 : index
        %get3A_99 = tpu.vector_load %arg8[%get3A_97, %get3A_98] {strides = array<i32>} : memref<72x32xf32, #tpu.memory_space<vmem>>, vector<1x16xf32>,
        %get3A_100 = vector.shape_cast %get3A_99 : vector<1x16xf32> to vector<16xf32>
        %add3A_101 = arith.addf %add3A_87, %get3A_100 : vector<16xf32>
        %get3A_102 = arith.index_cast %add3A_96 : i32 to index
        %get3A_103 = arith.constant 16 : index
        %get3A_104 = tpu.vector_load %arg8[%get3A_102, %get3A_103] {strides = array<i32>} : memref<72x32xf32, #tpu.memory_space<vmem>>, vector<1x16xf32>,
        %get3A_105 = vector.shape_cast %get3A_104 : vector<1x16xf32> to vector<16xf32>
        %add3A_106 = arith.addf %add3A_92, %get3A_105 : vector<16xf32>
        %mul3A_107 = arith.constant 8 : i32
        %mul3A_108 = arith.muli %scan3A_49, %mul3A_107 : i32
        %add3A_109 = arith.constant 4 : i32
        %add3A_110 = arith.addi %mul3A_108, %add3A_109 : i32
        %get3A_111 = arith.index_cast %add3A_110 : i32 to index
        %get3A_112 = arith.constant 0 : index
        %get3A_113 = tpu.vector_load %arg8[%get3A_111, %get3A_112] {strides = array<i32>} : memref<72x32xf32, #tpu.memory_space<vmem>>, vector<1x16xf32>,
        %get3A_114 = vector.shape_cast %get3A_113 : vector<1x16xf32> to vector<16xf32>
        %add3A_115 = arith.addf %add3A_101, %get3A_114 : vector<16xf32>
        %get3A_116 = arith.index_cast %add3A_110 : i32 to index
        %get3A_117 = arith.constant 16 : index
        %get3A_118 = tpu.vector_load %arg8[%get3A_116, %get3A_117] {strides = array<i32>} : memref<72x32xf32, #tpu.memory_space<vmem>>, vector<1x16xf32>,
        %get3A_119 = vector.shape_cast %get3A_118 : vector<1x16xf32> to vector<16xf32>
        %add3A_120 = arith.addf %add3A_106, %get3A_119 : vector<16xf32>
        %mul3A_121 = arith.constant 8 : i32
        %mul3A_122 = arith.muli %scan3A_49, %mul3A_121 : i32
        %add3A_123 = arith.constant 5 : i32
        %add3A_124 = arith.addi %mul3A_122, %add3A_123 : i32
        %get3A_125 = arith.index_cast %add3A_124 : i32 to index
        %get3A_126 = arith.constant 0 : index
        %get3A_127 = tpu.vector_load %arg8[%get3A_125, %get3A_126] {strides = array<i32>} : memref<72x32xf32, #tpu.memory_space<vmem>>, vector<1x16xf32>,
        %get3A_128 = vector.shape_cast %get3A_127 : vector<1x16xf32> to vector<16xf32>
        %add3A_129 = arith.addf %add3A_115, %get3A_128 : vector<16xf32>
        %get3A_130 = arith.index_cast %add3A_124 : i32 to index
        %get3A_131 = arith.constant 16 : index
        %get3A_132 = tpu.vector_load %arg8[%get3A_130, %get3A_131] {strides = array<i32>} : memref<72x32xf32, #tpu.memory_space<vmem>>, vector<1x16xf32>,
        %get3A_133 = vector.shape_cast %get3A_132 : vector<1x16xf32> to vector<16xf32>
        %add3A_134 = arith.addf %add3A_120, %get3A_133 : vector<16xf32>
        %mul3A_135 = arith.constant 8 : i32
        %mul3A_136 = arith.muli %scan3A_49, %mul3A_135 : i32
        %add3A_137 = arith.constant 6 : i32
        %add3A_138 = arith.addi %mul3A_136, %add3A_137 : i32
        %get3A_139 = arith.index_cast %add3A_138 : i32 to index
        %get3A_140 = arith.constant 0 : index
        %get3A_141 = tpu.vector_load %arg8[%get3A_139, %get3A_140] {strides = array<i32>} : memref<72x32xf32, #tpu.memory_space<vmem>>, vector<1x16xf32>,
        %get3A_142 = vector.shape_cast %get3A_141 : vector<1x16xf32> to vector<16xf32>
        %add3A_143 = arith.addf %add3A_129, %get3A_142 : vector<16xf32>
        %get3A_144 = arith.index_cast %add3A_138 : i32 to index
        %get3A_145 = arith.constant 16 : index
        %get3A_146 = tpu.vector_load %arg8[%get3A_144, %get3A_145] {strides = array<i32>} : memref<72x32xf32, #tpu.memory_space<vmem>>, vector<1x16xf32>,
        %get3A_147 = vector.shape_cast %get3A_146 : vector<1x16xf32> to vector<16xf32>
        %add3A_148 = arith.addf %add3A_134, %get3A_147 : vector<16xf32>
        %mul3A_149 = arith.constant 8 : i32
        %mul3A_150 = arith.muli %scan3A_49, %mul3A_149 : i32
        %add3A_151 = arith.constant 7 : i32
        %add3A_152 = arith.addi %mul3A_150, %add3A_151 : i32
        %get3A_153 = arith.index_cast %add3A_152 : i32 to index
        %get3A_154 = arith.constant 0 : index
        %get3A_155 = tpu.vector_load %arg8[%get3A_153, %get3A_154] {strides = array<i32>} : memref<72x32xf32, #tpu.memory_space<vmem>>, vector<1x16xf32>,
        %get3A_156 = vector.shape_cast %get3A_155 : vector<1x16xf32> to vector<16xf32>
        %add3A_157 = arith.addf %add3A_143, %get3A_156 : vector<16xf32>
        %get3A_158 = arith.index_cast %add3A_152 : i32 to index
        %get3A_159 = arith.constant 16 : index
        %get3A_160 = tpu.vector_load %arg8[%get3A_158, %get3A_159] {strides = array<i32>} : memref<72x32xf32, #tpu.memory_space<vmem>>, vector<1x16xf32>,
        %get3A_161 = vector.shape_cast %get3A_160 : vector<1x16xf32> to vector<16xf32>
        %add3A_162 = arith.addf %add3A_148, %get3A_161 : vector<16xf32>
        scf.yield %add3A_157, %add3A_162 : vector<16xf32>, vector<16xf32>
      }
      %scan3A_36 = arith.constant 9 : i32
      %mul3A_37 = arith.mulf %scan3A_35#0, %broadcast_in_dim3A_3 : vector<16xf32>
      %swap3A = arith.index_cast %scan3A_10 : i32 to index
      %swap3A_38 = arith.constant 0 : index
      %swap3A_39 = tpu.vector_load %arg9[%swap3A, %swap3A_38] {strides = array<i32>} : memref<32x32xf32, #tpu.memory_space<vmem>>, vector<1x16xf32>,
      %swap3A_40 = vector.shape_cast %swap3A_39 : vector<1x16xf32> to vector<16xf32>
      %swap3A_41 = vector.shape_cast %mul3A_37 : vector<16xf32> to vector<1x16xf32>
      tpu.vector_store %arg9[%swap3A, %swap3A_38], %swap3A_41 {strides = array<i32>} : memref<32x32xf32, #tpu.memory_space<vmem>>, vector<1x16xf32>,
      %mul3A_42 = arith.mulf %scan3A_35#1, %broadcast_in_dim3A_3 : vector<16xf32>
      %swap3A_43 = arith.index_cast %scan3A_10 : i32 to index
      %swap3A_44 = arith.constant 16 : index
      %swap3A_45 = tpu.vector_load %arg9[%swap3A_43, %swap3A_44] {strides = array<i32>} : memref<32x32xf32, #tpu.memory_space<vmem>>, vector<1x16xf32>,
      %swap3A_46 = vector.shape_cast %swap3A_45 : vector<1x16xf32> to vector<16xf32>
      %swap3A_47 = vector.shape_cast %mul3A_42 : vector<16xf32> to vector<1x16xf32>
      tpu.vector_store %arg9[%swap3A_43, %swap3A_44], %swap3A_47 {strides = array<i32>} : memref<32x32xf32, #tpu.memory_space<vmem>>, vector<1x16xf32>,
      %scan3A_48 = arith.constant 0 : i32
      scf.yield %scan3A_48 : i32
    }
    %scan3A_9 = arith.constant 32 : i32
    "tpu.region"() ({
      %run_scoped3A = tpu.sem_alloc : memref<!tpu.dma_semaphore, #tpu.memory_space<semaphore_mem>>
      %dma_start3A = arith.constant 0 : i32
      %dma_start3A_10 = tpu.memref_slice %arg4[%mul3A_2, %dma_start3A] : memref<1024x32xf32, #tpu.memory_space<hbm>> -> memref<32x32xf32, #tpu.memory_space<hbm>>
      %dma_start3A_11 = arith.constant 0 : i32
      %dma_start3A_12 = tpu.memref_slice %arg4[%mul3A_2, %dma_start3A_11] : memref<1024x32xf32, #tpu.memory_space<hbm>> -> memref<32x32xf32, #tpu.memory_space<hbm>>
      tpu.enqueue_dma source(%arg9 : memref<32x32xf32, #tpu.memory_space<vmem>>) target(%dma_start3A_12 : memref<32x32xf32, #tpu.memory_space<hbm>>) target_semaphore(%run_scoped3A : memref<!tpu.dma_semaphore, #tpu.memory_space<semaphore_mem>>)
      %dma_wait3A = arith.constant 0 : i32
      %dma_wait3A_13 = tpu.memref_slice %arg4[%mul3A_2, %dma_wait3A] : memref<1024x32xf32, #tpu.memory_space<hbm>> -> memref<32x32xf32, #tpu.memory_space<hbm>>
      %dma_wait3A_14 = arith.constant 0 : i32
      %dma_wait3A_15 = tpu.memref_slice %arg4[%mul3A_2, %dma_wait3A_14] : memref<1024x32xf32, #tpu.memory_space<hbm>> -> memref<32x32xf32, #tpu.memory_space<hbm>>
      tpu.wait_dma2 semaphore(%run_scoped3A : memref<!tpu.dma_semaphore, #tpu.memory_space<semaphore_mem>>) src(%arg9 : memref<32x32xf32, #tpu.memory_space<vmem>>) dst(%dma_wait3A_15 : memref<32x32xf32, #tpu.memory_space<hbm>>)
      tpu.yield
    }) : () -> ()
    return
  }
}

module attributes {stable_mosaic.version = 14 : i64} {
  func.func @_mlp_block(%arg0: i32, %arg1: memref<1024x32xf32, #tpu.memory_space<vmem>>, %arg2: memref<32x128xf32, #tpu.memory_space<vmem>>, %arg3: memref<1x128xf32, #tpu.memory_space<vmem>>, %arg4: memref<128x2048xf32, #tpu.memory_space<vmem>>, %arg5: memref<1x2048xf32, #tpu.memory_space<vmem>>, %arg6: memref<1024x2048xf32, #tpu.memory_space<vmem>>, %arg7: memref<1024x128xf32, #tpu.memory_space<vmem>>) attributes {dimension_semantics = [#tpu.dimension_semantics<arbitrary>], iteration_bounds = array<i64: 49>, scalar_prefetch = 0 : i64, scratch_operands = 1 : i64, tpu.core_type = #tpu.core_type<tc>, window_params = [{pipeline_mode = #tpu.pipeline_mode<synchronous>, transform_indices = @transform_0, window_bounds = array<i64: 1024, 32>}, {pipeline_mode = #tpu.pipeline_mode<synchronous>, transform_indices = @transform_1, window_bounds = array<i64: 32, 128>}, {pipeline_mode = #tpu.pipeline_mode<synchronous>, transform_indices = @transform_2, window_bounds = array<i64: 1, 128>}, {transform_indices = @transform_3, window_bounds = array<i64: 128, 2048>}, {transform_indices = @transform_4, window_bounds = array<i64: 1, 2048>}, {transform_indices = @transform_5, window_bounds = array<i64: 1024, 2048>}]} {
    %eq3A = arith.constant 0 : i32
    %eq3A_0 = arith.cmpi eq, %arg0, %eq3A : i32
    %convert_element_type3A = arith.extui %eq3A_0 : i1 to i32
    %cond3A = arith.constant 0 : i32
    %cond3A_1 = arith.cmpi ne, %convert_element_type3A, %cond3A : i32
    scf.if %cond3A_1 {
      %get3A_14 = arith.constant 0 : index
      %get3A_15 = arith.constant 0 : index
      %get3A_16 = vector.load %arg1[%get3A_14, %get3A_15] : memref<1024x32xf32, #tpu.memory_space<vmem>>, vector<1024x32xf32>
      %get3A_17 = arith.constant 0 : index
      %get3A_18 = arith.constant 0 : index
      %get3A_19 = vector.load %arg2[%get3A_17, %get3A_18] : memref<32x128xf32, #tpu.memory_space<vmem>>, vector<32x128xf32>
      %dot_general3A_20 = arith.constant dense<0.000000e+00> : vector<1024x128xf32>
      %dot_general3A_21 = tpu.matmul %get3A_16, %get3A_19, %dot_general3A_20 {dimension_numbers = #tpu.dot_dimension_numbers<[1], [0], [0], [1], [0, 0, 1, 1], [], []>, transpose_lhs_hint = false} : vector<1024x32xf32>, vector<32x128xf32>, vector<1024x128xf32> -> vector<1024x128xf32>
      %get3A_22 = arith.constant 0 : index
      %get3A_23 = arith.constant 0 : index
      %get3A_24 = vector.load %arg3[%get3A_22, %get3A_23] : memref<1x128xf32, #tpu.memory_space<vmem>>, vector<1x128xf32>
      %add3A_25 = vector.broadcast %get3A_24 : vector<1x128xf32> to vector<1024x128xf32>
      %add3A_26 = arith.addf %dot_general3A_21, %add3A_25 : vector<1024x128xf32>
      %max3A = arith.constant 0.000000e+00 : f32
      %max3A_27 = vector.broadcast %max3A : f32 to vector<1024x128xf32>
      %max3A_28 = arith.maximumf %add3A_26, %max3A_27 : vector<1024x128xf32>
      %swap3A_29 = arith.constant 0 : index
      %swap3A_30 = arith.constant 0 : index
      %swap3A_31 = vector.load %arg7[%swap3A_29, %swap3A_30] : memref<1024x128xf32, #tpu.memory_space<vmem>>, vector<1024x128xf32>
      tpu.vector_store %arg7[%swap3A_29, %swap3A_30], %max3A_28 {strides = array<i32>} : memref<1024x128xf32, #tpu.memory_space<vmem>>, vector<1024x128xf32>,
    } else {
    }
    %get3A = arith.constant 0 : index
    %get3A_2 = arith.constant 0 : index
    %get3A_3 = vector.load %arg7[%get3A, %get3A_2] : memref<1024x128xf32, #tpu.memory_space<vmem>>, vector<1024x128xf32>
    %get3A_4 = arith.constant 0 : index
    %get3A_5 = arith.constant 0 : index
    %get3A_6 = vector.load %arg4[%get3A_4, %get3A_5] : memref<128x2048xf32, #tpu.memory_space<vmem>>, vector<128x2048xf32>
    %dot_general3A = arith.constant dense<0.000000e+00> : vector<1024x2048xf32>
    %dot_general3A_7 = tpu.matmul %get3A_3, %get3A_6, %dot_general3A {dimension_numbers = #tpu.dot_dimension_numbers<[1], [0], [0], [1], [0, 0, 1, 1], [], []>, transpose_lhs_hint = false} : vector<1024x128xf32>, vector<128x2048xf32>, vector<1024x2048xf32> -> vector<1024x2048xf32>
    %get3A_8 = arith.constant 0 : index
    %get3A_9 = arith.constant 0 : index
    %get3A_10 = vector.load %arg5[%get3A_8, %get3A_9] : memref<1x2048xf32, #tpu.memory_space<vmem>>, vector<1x2048xf32>
    %add3A = vector.broadcast %get3A_10 : vector<1x2048xf32> to vector<1024x2048xf32>
    %add3A_11 = arith.addf %dot_general3A_7, %add3A : vector<1024x2048xf32>
    %swap3A = arith.constant 0 : index
    %swap3A_12 = arith.constant 0 : index
    %swap3A_13 = vector.load %arg6[%swap3A, %swap3A_12] : memref<1024x2048xf32, #tpu.memory_space<vmem>>, vector<1024x2048xf32>
    tpu.vector_store %arg6[%swap3A, %swap3A_12], %add3A_11 {strides = array<i32>} : memref<1024x2048xf32, #tpu.memory_space<vmem>>, vector<1024x2048xf32>,
    return
  }
  func.func @transform_0(%arg0: i32) -> (i32, i32) {
    %c0_i32 = arith.constant 0 : i32
    %c0_i32_0 = arith.constant 0 : i32
    %c0_i32_1 = arith.constant 0 : i32
    return %c0_i32, %c0_i32_0 : i32, i32
  }
  func.func @transform_1(%arg0: i32) -> (i32, i32) {
    %c0_i32 = arith.constant 0 : i32
    %c0_i32_0 = arith.constant 0 : i32
    %c0_i32_1 = arith.constant 0 : i32
    return %c0_i32, %c0_i32_0 : i32, i32
  }
  func.func @transform_2(%arg0: i32) -> (i32, i32) {
    %c0_i32 = arith.constant 0 : i32
    %c0_i32_0 = arith.constant 0 : i32
    %c0_i32_1 = arith.constant 0 : i32
    return %c0_i32, %c0_i32_0 : i32, i32
  }
  func.func @transform_3(%arg0: i32) -> (i32, i32) {
    %c0_i32 = arith.constant 0 : i32
    %c0_i32_0 = arith.constant 0 : i32
    return %c0_i32, %arg0 : i32, i32
  }
  func.func @transform_4(%arg0: i32) -> (i32, i32) {
    %c0_i32 = arith.constant 0 : i32
    %c0_i32_0 = arith.constant 0 : i32
    return %c0_i32, %arg0 : i32, i32
  }
  func.func @transform_5(%arg0: i32) -> (i32, i32) {
    %c0_i32 = arith.constant 0 : i32
    %c0_i32_0 = arith.constant 0 : i32
    return %c0_i32, %arg0 : i32, i32
  }
}

</mosaic_0001>

<sc_bundles>
// kernel: kernel.4.cloned.1.call-start
scs
__scs_entry_jumppad:
0x0: {  	(pc) =	sbr.rel $0x88, $3  }
0x1: {  	(tag) =	ssettag $0x0;
	lr =	simm.s32 $0x1  }
0x2: {  	[smem:$0x3F9B] =	sst lr;
	_ =	strace $0xD0000000  }
0x3: {  	_ = 	snop  }
0x4: {  	_ = 	snop  }
0x5: {  	_ = 	snop  }
0x6: {  	_ = 	snop  }
0x7: {  	_ = 	snop  }
__scs_overlays_trampoline_lowered:
0x8: {  	[smem:$0x3FAA] =	sst s0  }
0x9: {  	[smem:$0x3FAB] =	sst s1  }
0xa: {  	[smem:$0x3FAC] =	sst s2  }
0xb: {  	[smem:$0x3FAD] =	sst s3  }
0xc: {  	[smem:$0x3FAE] =	sst s4  }
0xd: {  	[smem:$0x3FAF] =	sst s5  }
0xe: {  	[smem:$0x3FB0] =	sst s6  }
0xf: {  	[smem:$0x3FB1] =	sst s7  }
0x10: {  	[smem:$0x3FB2] =	sst s8  }
0x11: {  	[smem:$0x3FB3] =	sst s9;
	s0 =	simm.s32 @!p0 $0x0  }
0x12: {  	s1 =	sld [smem:$0x3F99];
	s0 =	simm.s32 @p0 $0x1  }
0x13: {  	[smem:$0x3FB4] =	sst s0;
	s0 =	simm.s32 @!p1 $0x0  }
0x14: {  	s2 =	sld [smem:$0x3F98];
	s0 =	simm.s32 @p1 $0x1  }
0x15: {  	[smem:$0x3FB5] =	sst s0;
	s0 =	simm.s32 @!p2 $0x0  }
0x16: {  	s3 =	sld [smem:$0x3FDB];
	s0 =	simm.s32 @p2 $0x1  }
0x17: {  	s4 =	simm.s32 $0x1BF5;
	[smem:$0x3FB7] =	sst s0  }
0x18: {  	s0 =	sld [smem:$0x3F9A];
	_ =	swait.ge [sflag:s4], $0x0  }
0x19: {  	s7 =	sld [smem:$0x3F9B]  }
0x1a: {  	s8 =	sadd.s32 $0xFFFFE003, lr  }
0x1b: {  	s9 =	sadd.s32 $0xFFFFFEF7, lr;
	s5 =	simm.s32 $0xFFFFFFFF;
	p2 =	slt.u32 s8, $0xFFFFF086  }
0x1c: {  	p1 =	slt.u32 s9, $0xF7A;
	s5 =	simm.s32 @!p2 $0x0  }
0x1d: {  	s5 =	simm.s32 @p1 $0x1;
	p0 =	seq.s32 s7, s2  }
0x1e: {  	s7 =	smul.u32 @!p0 $0xF7A, s2;
	p2 =	seq.s32 @!p0 s5, $0x0  }
0x1f: {  	s9 =	smul.u32 $0xF7A, s1;
	s8 =	simm.s32 @!p0 $0x1BF5;
	p2 =	por !p2, p0  }
0x20: {  	[sflag:s8] =	ssyncset.s32 @!p0 $0xFFFFF086;
	s6 =	sadd.s32 @!p0 s3, s7;
	s7 =	simm.s32 @!p0 $0x108  }
0x21: {  	s3 =	sadd.s32 s3, s9;
	s6 =	sadd.s32 @!p0 $0x88, s6;
	s7 =	simm.s32 @p2 $0x1082  }
0x22: {  	[simem:s7], [sflag:s8] =	dma.local @!p0 [hbm:s6], $0xF7A  }
0x23: {  	s9 =	sor.u32 $0xD0000000, s2;
	s6 =	simm.s32 $0x108;
	_ =	swait.ge @!p0 [sflag:s8], $0x0  }
0x24: {  	s3 =	sadd.s32 $0x88, s3;
	s6 =	simm.s32 @!p1 $0x1082;
	[sflag:s4] =	ssyncset.s32 $0xFFFFF086  }
0x25: {  	[simem:s6], [sflag:s4] =	dma.local [hbm:s3], $0xF7A  }
0x26: {  	[smem:$0x3F9B] =	sst s1;
	(tag) =	ssettag s2;
	_ =	strace s9  }
0x27: {  	s1 =	sld [smem:$0x3FAB]  }
0x28: {  	s2 =	sld [smem:$0x3FAC]  }
0x29: {  	s4 =	sld [smem:$0x3FAE]  }
0x2a: {  	p0 =	seq.s32 s5, $0x0;
	s5 =	sld [smem:$0x3FAF]  }
0x2b: {  	s6 =	sld [smem:$0x3FB0]  }
0x2c: {  	s7 =	sld [smem:$0x3FB1]  }
0x2d: {  	s3 =	simm.s32 $0x108;
	s8 =	sld [smem:$0x3FB2]  }
0x2e: {  	s3 =	simm.s32 @!p0 $0x1082;
	s9 =	sld [smem:$0x3FB3]  }
0x2f: {  	lr =	sadd.s32 s0, s3;
	s0 =	sld [smem:$0x3FAA]  }
0x30: {  	s3 =	sld [smem:$0x3FAD]  }
0x31: {  	[smem:$0x3FB6] =	sst s10  }
0x32: {  	s10 =	sld [smem:$0x3FB4];
	_ =	sdelay $0x3  }
0x33: {  	p0 =	seq.s32 s10, $0x1;
	s10 =	sld [smem:$0x3FB6];
	_ =	sdelay $0x3  }
0x34: {  	[smem:$0x3FB6] =	sst s10  }
0x35: {  	s10 =	sld [smem:$0x3FB5];
	_ =	sdelay $0x3  }
0x36: {  	p1 =	seq.s32 s10, $0x1;
	s10 =	sld [smem:$0x3FB6];
	_ =	sdelay $0x3  }
0x37: {  	[smem:$0x3FB6] =	sst s10  }
0x38: {  	s10 =	sld [smem:$0x3FB7]  }
0x39: {  	_ = 	snop;
	(pc) =	sbr.ind lr, $3  }
0x3a: {  	_ = 	snop  }
0x3b: {  	_ = 	snop  }
0x3c: {  	p2 =	seq.s32 s10, $0x1;
	s10 =	sld [smem:$0x3FB6]  }
0x3d: {  	_ =	shalt  }
0x3e: {  	_ =	shalt  }
0x3f: {  	_ =	shalt  }
0x40: {  	_ =	shalt  }
0x41: {  	_ =	shalt  }
0x42: {  	_ =	shalt  }
0x43: {  	_ =	shalt  }
0x44: {  	_ =	shalt  }
0x45: {  	_ =	shalt  }
0x46: {  	_ =	shalt  }
0x47: {  	_ =	shalt  }
0x48: {  	_ =	shalt  }
0x49: {  	_ =	shalt  }
0x4a: {  	_ =	shalt  }
0x4b: {  	_ =	shalt  }
0x4c: {  	_ =	shalt  }
0x4d: {  	_ =	shalt  }
0x4e: {  	_ =	shalt  }
0x4f: {  	_ =	shalt  }
0x50: {  	_ =	shalt  }
0x51: {  	_ =	shalt  }
0x52: {  	_ =	shalt  }
0x53: {  	_ =	shalt  }
0x54: {  	_ =	shalt  }
0x55: {  	_ =	shalt  }
0x56: {  	_ =	shalt  }
0x57: {  	_ =	shalt  }
0x58: {  	_ =	shalt  }
0x59: {  	_ =	shalt  }
0x5a: {  	_ =	shalt  }
0x5b: {  	_ =	shalt  }
0x5c: {  	_ =	shalt  }
0x5d: {  	_ =	shalt  }
0x5e: {  	_ =	shalt  }
0x5f: {  	_ =	shalt  }
0x60: {  	_ =	shalt  }
0x61: {  	_ =	shalt  }
0x62: {  	_ =	shalt  }
0x63: {  	_ =	shalt  }
0x64: {  	_ =	shalt  }
0x65: {  	_ =	shalt  }
0x66: {  	_ =	shalt  }
0x67: {  	_ =	shalt  }
0x68: {  	_ =	shalt  }
0x69: {  	_ =	shalt  }
0x6a: {  	_ =	shalt  }
0x6b: {  	_ =	shalt  }
0x6c: {  	_ =	shalt  }
0x6d: {  	_ =	shalt  }
0x6e: {  	_ =	shalt  }
0x6f: {  	_ =	shalt  }
0x70: {  	_ =	shalt  }
0x71: {  	_ =	shalt  }
0x72: {  	_ =	shalt  }
0x73: {  	_ =	shalt  }
0x74: {  	_ =	shalt  }
0x75: {  	_ =	shalt  }
0x76: {  	_ =	shalt  }
0x77: {  	_ =	shalt  }
0x78: {  	_ =	shalt  }
0x79: {  	_ =	shalt  }
0x7a: {  	_ =	shalt  }
0x7b: {  	_ =	shalt  }
0x7c: {  	_ =	shalt  }
0x7d: {  	_ =	shalt  }
0x7e: {  	_ =	shalt  }
0x7f: {  	_ =	shalt  }
0x80: {  	_ =	shalt  }
0x81: {  	_ =	shalt  }
0x82: {  	_ =	shalt  }
0x83: {  	_ =	shalt  }
0x84: {  	_ =	shalt  }
0x85: {  	_ =	shalt  }
0x86: {  	_ =	shalt  }
0x87: {  	_ =	shalt  }
.Lfunc_end0:
.L_simem_size_0:
called_computation_lowered:
.L_overlay_start_0:
0x88: {  	s2 =	sld [smem:$0x3FD9]  }
0x89: {  	s3 =	sld [smem:$0x3FFE];
	_ =	sdelay $0x1  }
0x8a: {  	s1 =	srdreg.scid  }
0x8b: {  	s0 =	sand.u32 $0x1, s1  }
0x8c: {  	s16 =	sshll.u32 s0, $0xA;
	s2 =	sadd.s32 s3, s2  }
0x8d: {  	s2 =	sadd.s32 s2, s16  }
0x8e: {  	[smem:$0x3FC2] =	sst s2  }
0x8f: {  	_ = 	snop  }
0x90: {  	(tm) =	ssettm $0x1  }
0x91: {  	s17 =	sld [smem:$0x3FFB];
	_ =	sdelay $0x3  }
0x92: {  	_ =	strace s17  }
0x93: {  	s2 =	sld [smem:$0x3FFC];
	_ =	sdelay $0x3  }
0x94: {  	_ =	strace s2  }
0x95: {  	s2 =	sld [smem:$0x3FFD];
	_ =	sdelay $0x3  }
0x96: {  	_ =	strace s2  }
0x97: {  	_ =	strace $0x8FFFFFFF  }
0x98: {  	s18 =	sld [smem:$0x3FDB];
	_ =	sdelay $0x1  }
0x99: {  	s19 =	simm.s32 $_scs_section_size  }
0x9a: {  	s4 =	simm.s32 $_size__tile_overlayer_lowered;
	s5 =	simm.s32 $_tile_overlayer_lowered  }
0x9b: {  	s22 =	simm.s32 $0x1BFF;
	s21 =	sshll.u32 s5, $0x1;
	s2 =	sadd.s32 s19, s18  }
0x9c: {  	s6 =	simm.s32 $0x0;
	s20 =	sshll.u32 s4, $0x1;
	s4 =	sadd.s32 s21, s2  }
0x9d: {  	[timem:s6], [sflag:s22] =	dma.local [hbm:s4], s20  }
0x9e: {  	_ =	swait.ge [sflag:s22], s20  }
0x9f: {  	s3 =	ssub.s32 $0x0, s20;
	[sflag:s22] =	ssyncset.done $0x0  }
0xa0: {  	[sflag:s22] =	ssyncadd.s32 s3;
	_ =	sdelay $0x1  }
0xa1: {  	s23 =	simm.s32 $0x1B8B  }
0xa2: {  	_ =	swait.ge [sflag:s23], $0x1  }
0xa3: {  	[sflag:s23] =	ssyncset.done $0x0  }
0xa4: {  	s25 =	simm.s32 $0x1B8E;
	s24 =	sld [smem:$0x3FFE];
	[sflag:s23] =	ssyncadd.s32 $0xFFFFFFFF  }
0xa5: {  	s26 =	simm.s32 $execute0_lowered;
	[smem:$0x3FD2] =	sst s25  }
0xa6: {  	s4 =	sshll.u32 s26, $0x1;
	_ =	strace $0x80000046;
	[dreg:$0x1] =	wrdreg $0xFFFFFFFF  }
0xa7: {  	s28 =	simm.s32 $_size_execute0_lowered;
	s2 =	sadd.s32 s2, s4;
	[dreg:$0x0] =	wrdreg $0x0  }
0xa8: {  	s4 =	sshll.u32 s28, $0x1;
	[dreg:$0x2] =	wrdreg s2  }
0xa9: {  	[dreg:$0x3] =	wrdreg s4  }
0xaa: {  	[dreg:$0x4] =	wrdreg $0xC0  }
0xab: {  	_ =	task [dreg:s6], $0x5FFFF  }
0xac: {  	[dreg:$0x1] =	wrdreg $0xFFFFFFFF  }
0xad: {  	[dreg:$0x0] =	wrdreg $0x60  }
0xae: {  	[dreg:$0x2] =	wrdreg s24  }
0xaf: {  	[dreg:$0x3] =	wrdreg $0x9  }
0xb0: {  	_ =	task.clear_ibuf [dreg:s6], $0x4FFFF;
	_ =	strace $0x90000046  }
0xb1: {  	s29 =	simm.s32 $0x9;
	_ =	strace $0x80000048  }
0xb2: {  	_ =	swait.ge [sflag:s29], $0x1  }
0xb3: {  	[sflag:s29] =	ssyncadd.s32 $0xFFFFFFFF  }
0xb4: {  	_ =	strace $0x90000048  }
0xb5: {  	_ =	sfence  }
0xb6: {  	s30 =	sld [smem:$0x0];
	_ =	sdelay $0x2  }
0xb7: {  	s31 =	sshll.u32 s1, $0xD;
	s1 =	sshrl.u32 s1, $0x2  }
0xb8: {  	s3 =	sand.u32 $0x4000, s31;
	s1 =	sadd.s32 s1, s30  }
0xb9: {  	s0 =	sor.u32 s3, s0;
	s1 =	sshll.u32 s1, $0x11  }
0xba: {  	s0 =	sor.u32 s1, s0  }
0xbb: {  	s0 =	sadd.s32 $0x8F2B, s0  }
0xbc: {  	[sflag:s0] =	ssyncadd.remote.s32 $0x1  }
0xbd: {  	_ =	sfence.sel $0xFFFF  }
0xbe: {  	[dreg:$0x0] =	wrdreg $0xFFFFFFFF;
	(pc) =	sbr.abs _section_cstart, $3  }
0xbf: {  	[dreg:$0x1] =	wrdreg $0xFFFFFFFF  }
0xc0: {  	_ =	task.clear_ibuf [dreg:s6], $0x2FFFF;
	_ =	strace $0x9FFFFFFF  }
0xc1: {  	(tm) =	ssettm $0x7FFFFFFF  }
tec
execute0_lowered:
.L_overlay_start_1:
0x0: {  	(tag) =	ssettag $0x1  }
0x1: {  	s5 =	rddreg [dreg:$0x0];
	s2 =	srdreg.scid  }
0x2: {  	s0 =	rddreg [dreg:$0x1];
	s1 =	stileid.u32  }
0x3: {  	s9 =	simm.s32 $0x80;
	s10 =	simm.s32 $0xC8;
	s11 =	simm.s32 $0x1  }
0x4: {  	s12 =	simm.s32 $0x48;
	s13 =	simm.s32 $0x10C8;
	s14 =	simm.s32 $0x19C8  }
0x5: {  	s15 =	simm.s32 $0x0;
	s4 =	sand.u32 $0x1, s2;
	s2 =	simm.s32 $0x0  }
0x6: {  	s3 =	sshll.u32 s1, $0x6;
	s6 =	sshll.u32 s4, $0x5;
	[smem:$0x7FF] =	sst s2  }
0x7: {  	s7 =	ssub.s32 $0x2, s4;
	s4 =	sadd.s32 $0x6E00, s5;
	s3 =	sor.u32 s6, s3  }
0x8: {  	_ =	strace $0x80000047;
	s8 =	sshrl.u32 s7, $0x1;
	s6 =	sshll.u32 s3, $0x2  }
0x9: {  	s7 =	ssub.s32 s7, s8;
	s8 =	simm.s32 $0x2;
	s6 =	sadd.s32 s6, s5  }
0xa: {  	s5 =	sadd.s32 $0xA00, s5;
	s7 =	smax.u32 s7, $0x1;
	s6 =	sadd.s32 $0x68A00, s6  }
.LBB2_1:
0xb: {  	s16 =	simm.s32 $0x0  }
.LBB2_2:
0xc: {  	s17 =	sor.u32 s3, s16  }
0xd: {  	s17 =	smul.u32 $0xC8, s17;
	_ =	sdelay $0x1  }
0xe: {  	s17 =	sshrl.u32 s17, $0x3  }
0xf: {  	s18 =	simm.s32 $0x0;
	s17 =	sadd.s32 s5, s17  }
0x10: {  	[tilespmem:s18], [sflag:$0x2] =	stream.linear.gather [hbm4b:s17+s18], $0x80, $0x38;
	[tilespmem:$0x1DC8] =	vst v63  }
0x11: {  	_ =	swait.ge [sflag:s8], $0x80  }
0x12: {  	[sflag:s8] =	ssyncset.done $0x0  }
0x13: {  	s17 =	sadd.s32 $0x10, s17;
	[sflag:s8] =	ssyncadd.s32 $0xFFFFFF80  }
0x14: {  	[tilespmem:s9], [sflag:$0x2] =	stream.linear.gather [hbm4b:s17+s18], $0x48, $0x38;
	[tilespmem:$0x1DC8] =	vst v63  }
0x15: {  	_ =	swait.ge [sflag:s8], $0x48  }
0x16: {  	[sflag:s8] =	ssyncset.done $0x0  }
0x17: {  	[sflag:s8] =	ssyncadd.s32 $0xFFFFFFB8  }
0x18: {  	[tilespmem:s10], [sflag:$0x1] =	stream.indirect.gather [hbm4b:s4+s9], $0x20, s18, s9, $0xb8;
	[tilespmem:$0x1DC8] =	vst v63  }
0x19: {  	_ =	swait.ge [sflag:s11], $0x1000  }
0x1a: {  	[sflag:s11] =	ssyncset.done $0x0  }
0x1b: {  	[sflag:s11] =	ssyncadd.s32 $0xFFFFF000  }
0x1c: {  	[tilespmem:s13], [sflag:$0x1] =	stream.indirect.gather [hbm4b:s4+s12], $0x20, s9, s12, $0xb8;
	[tilespmem:$0x1DC8] =	vst v63  }
0x1d: {  	_ =	swait.ge [sflag:s11], $0x900  }
0x1e: {  	[sflag:s11] =	ssyncset.done $0x0  }
0x1f: {  	s17 =	simm.s32 $0x0;
	[sflag:s11] =	ssyncadd.s32 $0xFFFFF700  }
0x20: {  	v0 =	vld [tilespmem:s17+$0xC8]  }
0x21: {  	v1 =	vld [tilespmem:s17+$0xD8]  }
0x22: {  	v2 =	vld [tilespmem:s17+$0xE8]  }
0x23: {  	v3 =	vld [tilespmem:s17+$0xF8]  }
0x24: {  	v4 =	vld [tilespmem:s17+$0x108]  }
0x25: {  	v5 =	vimm.f32 $0.0e+00;
	v6 =	vld [tilespmem:s17+$0x118]  }
0x26: {  	v7 =	vld [tilespmem:s17+$0x138];
	v0 =	vadd.f32 v0, v5;
	v1 =	vadd.f32 v1, v5  }
0x27: {  	v5 =	vld [tilespmem:s17+$0x128]  }
0x28: {  	v8 =	vld [tilespmem:s17+$0x158];
	v0 =	vadd.f32 v2, v0;
	v1 =	vadd.f32 v3, v1  }
0x29: {  	v2 =	vld [tilespmem:s17+$0x148]  }
0x2a: {  	v9 =	vld [tilespmem:s17+$0x178];
	v0 =	vadd.f32 v4, v0;
	v1 =	vadd.f32 v6, v1  }
0x2b: {  	v6 =	vld [tilespmem:s17+$0x168]  }
0x2c: {  	v3 =	vld [tilespmem:s17+$0x198];
	v4 =	vadd.f32 v5, v0;
	v1 =	vadd.f32 v7, v1  }
0x2d: {  	v0 =	vld [tilespmem:s17+$0x188]  }
0x2e: {  	v5 =	vadd.f32 v2, v4;
	v7 =	vadd.f32 v8, v1;
	v1 =	vld [tilespmem:s17+$0x1A8]  }
0x2f: {  	s18 =	simm.s32 $0x100;
	v4 =	vld [tilespmem:s17+$0x1B8]  }
0x30: {  	s19 =	simm.s32 $0x800;
	v2 =	vld [tilespmem:s18+$0xC8];
	v5 =	vadd.f32 v6, v5;
	v6 =	vadd.f32 v9, v7  }
.LBB2_3:
0x31: {  	p0 =	sne.s32 s19, $0x3C00;
	v7 =	vld [tilespmem:s18+$0xD8]  }
0x32: {  	v8 =	vld [tilespmem:s18+$0xE8];
	v0 =	vadd.f32 v0, v5;
	v3 =	vadd.f32 v3, v6  }
0x33: {  	v5 =	vld [tilespmem:s18+$0xF8]  }
0x34: {  	v6 =	vld [tilespmem:s18+$0x108];
	v0 =	vadd.f32 v1, v0;
	v1 =	vadd.f32 v4, v3  }
0x35: {  	v3 =	vld [tilespmem:s18+$0x118]  }
0x36: {  	v0 =	vadd.f32 v2, v0;
	v1 =	vadd.f32 v7, v1;
	v2 =	vld [tilespmem:s18+$0x128]  }
0x37: {  	v4 =	vld [tilespmem:s18+$0x138]  }
0x38: {  	v0 =	vadd.f32 v8, v0;
	v1 =	vadd.f32 v5, v1;
	v5 =	vld [tilespmem:s18+$0x148]  }
0x39: {  	v7 =	vld [tilespmem:s18+$0x158]  }
0x3a: {  	v0 =	vadd.f32 v6, v0;
	v1 =	vadd.f32 v3, v1;
	v6 =	vld [tilespmem:s18+$0x168]  }
0x3b: {  	v8 =	vld [tilespmem:s18+$0x178]  }
.Ltmp0:
0x3c: {  	v2 =	vadd.f32 v2, v0;
	v1 =	vadd.f32 v4, v1;
	v0 =	vld [tilespmem:s18+$0x188];
	(pc) =	sbr.rel @p0 .LBB2_3-.Ltmp0, $4  }
0x3d: {  	v3 =	vld [tilespmem:s18+$0x198]  }
0x3e: {  	v5 =	vadd.f32 v5, v2;
	v7 =	vadd.f32 v7, v1;
	v1 =	vld [tilespmem:s18+$0x1A8]  }
0x3f: {  	v4 =	vld [tilespmem:s18+$0x1B8];
	s18 =	sshra.s32 s19, $0x2  }
0x40: {  	s19 =	sadd.s32 $0x400, s19;
	v2 =	vld [tilespmem:s18+$0xC8];
	v5 =	vadd.f32 v6, v5;
	v6 =	vadd.f32 v8, v7  }
0x41: {  	v7 =	vld [tilespmem:s18+$0xD8]  }
0x42: {  	v8 =	vld [tilespmem:s18+$0xE8];
	v0 =	vadd.f32 v0, v5;
	v3 =	vadd.f32 v3, v6  }
0x43: {  	v5 =	vld [tilespmem:s18+$0xF8]  }
0x44: {  	v6 =	vld [tilespmem:s18+$0x108];
	v0 =	vadd.f32 v1, v0;
	v1 =	vadd.f32 v4, v3  }
0x45: {  	v3 =	vld [tilespmem:s18+$0x118]  }
0x46: {  	v4 =	vld [tilespmem:s18+$0x138];
	v0 =	vadd.f32 v2, v0;
	v1 =	vadd.f32 v7, v1  }
0x47: {  	v2 =	vld [tilespmem:s18+$0x128]  }
0x48: {  	v7 =	vld [tilespmem:s18+$0x158];
	v0 =	vadd.f32 v8, v0;
	v1 =	vadd.f32 v5, v1  }
0x49: {  	v5 =	vld [tilespmem:s18+$0x148]  }
0x4a: {  	v0 =	vadd.f32 v6, v0;
	v1 =	vadd.f32 v3, v1;
	v3 =	vld [tilespmem:s18+$0x168]  }
0x4b: {  	v6 =	vld [tilespmem:s18+$0x178]  }
0x4c: {  	v0 =	vadd.f32 v2, v0;
	v1 =	vadd.f32 v4, v1;
	v2 =	vld [tilespmem:s18+$0x188]  }
0x4d: {  	v4 =	vld [tilespmem:s18+$0x198]  }
0x4e: {  	v0 =	vadd.f32 v5, v0;
	v1 =	vadd.f32 v7, v1;
	v5 =	vld [tilespmem:s18+$0x1A8]  }
0x4f: {  	v7 =	vld [tilespmem:s18+$0x1B8]  }
0x50: {  	v0 =	vadd.f32 v3, v0;
	v1 =	vadd.f32 v6, v1;
	v3 =	vld [tilespmem:s17+$0x10C8]  }
0x51: {  	v6 =	vld [tilespmem:s17+$0x10D8]  }
0x52: {  	v0 =	vadd.f32 v2, v0;
	v1 =	vadd.f32 v4, v1;
	v2 =	vld [tilespmem:s17+$0x10E8]  }
0x53: {  	v4 =	vld [tilespmem:s17+$0x10F8]  }
0x54: {  	v0 =	vadd.f32 v5, v0;
	v1 =	vadd.f32 v7, v1;
	v5 =	vld [tilespmem:s17+$0x1108]  }
0x55: {  	v7 =	vld [tilespmem:s17+$0x1118]  }
0x56: {  	v0 =	vadd.f32 v3, v0;
	v1 =	vadd.f32 v6, v1;
	v3 =	vld [tilespmem:s17+$0x1128]  }
0x57: {  	v6 =	vld [tilespmem:s17+$0x1138]  }
0x58: {  	v8 =	vld [tilespmem:s17+$0x1158];
	v0 =	vadd.f32 v2, v0;
	v1 =	vadd.f32 v4, v1  }
0x59: {  	v4 =	vld [tilespmem:s17+$0x1148]  }
0x5a: {  	v0 =	vadd.f32 v5, v0;
	v1 =	vadd.f32 v7, v1;
	v5 =	vld [tilespmem:s17+$0x1168]  }
0x5b: {  	v7 =	vld [tilespmem:s17+$0x1178]  }
0x5c: {  	v2 =	vld [tilespmem:s17+$0x1198];
	v0 =	vadd.f32 v3, v0;
	v3 =	vadd.f32 v6, v1  }
0x5d: {  	v1 =	vld [tilespmem:s17+$0x1188]  }
0x5e: {  	v6 =	vadd.f32 v4, v0;
	v8 =	vadd.f32 v8, v3;
	v3 =	vld [tilespmem:s17+$0x11A8]  }
0x5f: {  	s18 =	simm.s32 $0x100;
	v4 =	vld [tilespmem:s17+$0x11B8]  }
0x60: {  	v0 =	vld [tilespmem:s18+$0x10C8];
	s17 =	simm.s32 $0x800;
	v6 =	vadd.f32 v5, v6;
	v5 =	vadd.f32 v7, v8  }
.LBB2_5:
0x61: {  	p0 =	sne.s32 s17, $0x2000;
	v7 =	vld [tilespmem:s18+$0x10D8]  }
0x62: {  	v8 =	vld [tilespmem:s18+$0x10E8];
	v1 =	vadd.f32 v1, v6;
	v2 =	vadd.f32 v2, v5  }
0x63: {  	v5 =	vld [tilespmem:s18+$0x10F8]  }
0x64: {  	v6 =	vld [tilespmem:s18+$0x1108];
	v1 =	vadd.f32 v3, v1;
	v2 =	vadd.f32 v4, v2  }
0x65: {  	v3 =	vld [tilespmem:s18+$0x1118]  }
0x66: {  	v0 =	vadd.f32 v0, v1;
	v1 =	vadd.f32 v7, v2;
	v2 =	vld [tilespmem:s18+$0x1128]  }
0x67: {  	v4 =	vld [tilespmem:s18+$0x1138]  }
0x68: {  	v0 =	vadd.f32 v8, v0;
	v1 =	vadd.f32 v5, v1;
	v5 =	vld [tilespmem:s18+$0x1148]  }
0x69: {  	v7 =	vld [tilespmem:s18+$0x1158]  }
0x6a: {  	v0 =	vadd.f32 v6, v0;
	v1 =	vadd.f32 v3, v1;
	v6 =	vld [tilespmem:s18+$0x1168]  }
0x6b: {  	v8 =	vld [tilespmem:s18+$0x1178]  }
.Ltmp1:
0x6c: {  	v0 =	vadd.f32 v2, v0;
	v3 =	vadd.f32 v4, v1;
	v1 =	vld [tilespmem:s18+$0x1188];
	(pc) =	sbr.rel @p0 .LBB2_5-.Ltmp1, $4  }
0x6d: {  	v2 =	vld [tilespmem:s18+$0x1198]  }
0x6e: {  	v5 =	vadd.f32 v5, v0;
	v7 =	vadd.f32 v7, v3;
	v3 =	vld [tilespmem:s18+$0x11A8]  }
0x6f: {  	v4 =	vld [tilespmem:s18+$0x11B8];
	s18 =	sshra.s32 s17, $0x2  }
0x70: {  	s17 =	sadd.s32 $0x400, s17;
	v0 =	vld [tilespmem:s18+$0x10C8];
	v6 =	vadd.f32 v6, v5;
	v5 =	vadd.f32 v8, v7  }
0x71: {  	_ = 	snop  }
0x72: {  	v7 =	vld [tilespmem:s18+$0x10D8];
	v1 =	vadd.f32 v1, v6  }
0x73: {  	v49 =	vld [tilespmem:s18+$0x10E8];
	v2 =	vadd.f32 v2, v5  }
0x74: {  	v50 =	vld [tilespmem:s18+$0x10F8];
	v1 =	vadd.f32 v3, v1  }
0x75: {  	v51 =	vld [tilespmem:s18+$0x1108];
	v2 =	vadd.f32 v4, v2  }
0x76: {  	v52 =	vld [tilespmem:s18+$0x1118];
	v0 =	vadd.f32 v0, v1  }
0x77: {  	v54 =	vld [tilespmem:s18+$0x1128];
	v53 =	vadd.f32 v7, v2  }
0x78: {  	v55 =	vld [tilespmem:s18+$0x1138];
	v0 =	vadd.f32 v49, v0  }
0x79: {  	v56 =	vld [tilespmem:s18+$0x1148];
	v1 =	vadd.f32 v50, v53  }
0x7a: {  	v57 =	vld [tilespmem:s18+$0x1158];
	v0 =	vadd.f32 v51, v0  }
0x7b: {  	v58 =	vld [tilespmem:s18+$0x1168];
	v1 =	vadd.f32 v52, v1  }
0x7c: {  	v59 =	vld [tilespmem:s18+$0x1178];
	v0 =	vadd.f32 v54, v0  }
0x7d: {  	v60 =	vld [tilespmem:s18+$0x1188];
	v1 =	vadd.f32 v55, v1  }
0x7e: {  	v61 =	vld [tilespmem:s18+$0x1198];
	v0 =	vadd.f32 v56, v0  }
0x7f: {  	v62 =	vld [tilespmem:s18+$0x11A8];
	v1 =	vadd.f32 v57, v1  }
0x80: {  	v63 =	vld [tilespmem:s18+$0x11B8];
	v0 =	vadd.f32 v58, v0  }
0x81: {  	v1 =	vadd.f32 v59, v1  }
0x82: {  	v0 =	vadd.f32 v60, v0  }
0x83: {  	s17 =	sshll.u32 s16, $0x5;
	s16 =	sadd.s32 $0x1, s16;
	v1 =	vadd.f32 v61, v1  }
0x84: {  	p0 =	sne.s32 s16, $0x20;
	v0 =	vadd.f32 v62, v0  }
.Ltmp2:
0x85: {  	v1 =	vadd.f32 v63, v1;
	(pc) =	sbr.rel @p0 .LBB2_2-.Ltmp2, $4  }
0x86: {  	v0 =	vmul.f32 $4.999999890e-03, v0  }
0x87: {  	s17 =	sand.u32 $0x3FFFFFE0, s17;
	v1 =	vmul.f32 $4.999999890e-03, v1  }
0x88: {  	[tilespmem:s17+$0x19C8] =	vst v0  }
0x89: {  	[tilespmem:s17+$0x19D8] =	vst v1  }
0x8a: {  	s15 =	sadd.s32 $0x1, s15  }
0x8b: {  	p0 =	sne.s32 s15, s7  }
.Ltmp3:
0x8c: {  	_ = 	snop;
	(pc) =	sbr.rel @p0 .LBB2_1-.Ltmp3, $4  }
0x8d: {  	[hbm4b:s6+s2] =	stream.linear.scatter [tilespmem:s14], [sflag:$0x2], $0x400, $0x38;
	[tilespmem:$0x1DC8] =	vst v63  }
0x8e: {  	_ =	swait.ge [sflag:s8], $0x400  }
0x8f: {  	[sflag:s8] =	ssyncset.done $0x0  }
0x90: {  	[sflag:s8] =	ssyncadd.s32 $0xFFFFFC00  }
0x91: {  	_ =	sfence.sel $0x180000  }
0x92: {  	[bflag:$0x0] =	sbarrier.arrive $0xFFFF  }
0x93: {  	p0 =	sne.s32 s1, $0x0;
	_ =	strace $0x90000047  }
0x94: {  	s0 =	sadd.s32 @!p0 $0x100000, s0;
	[bflag:$0x2] =	sbarrier.arrive $0xFFFF  }
0x95: {  	[sflag:s0] =	ssyncadd.tile.s32 @!p0 $0x1;
	_ =	shalt  }
.Lfunc_end2:
_tile_overlayer_lowered:
.L_overlay_start_2:
0x96: {  	(tag) =	ssettag $0x2  }
0x97: {  	s0 =	rddreg [dreg:$0x0];
	s2 =	stileid.u32  }
0x98: {  	s1 =	rddreg [dreg:$0x1];
	p0 =	sne.s32 s2, $0x0  }
0x99: {  	s3 =	rddreg [dreg:$0x2];
	[bflag:$0x3] =	sbarrier.arrive $0xFFFF;
	s2 =	simm.s32 @!p0 $0x1C02  }
0x9a: {  	[timem:s3], [sflag:s2] =	dma.local @!p0 [hbm:s0], s1  }
0x9b: {  	s0 =	simm.s32 @!p0 $0x2  }
0x9c: {  	_ =	swait.ge @!p0 [sflag:s0], s1  }
0x9d: {  	s1 =	ssub.s32 @!p0 $0x0, s1;
	[sflag:s0] =	ssyncset.done @!p0 $0x0  }
0x9e: {  	[sflag:s0] =	ssyncadd.s32 @!p0 s1  }
0x9f: {  	[bflag:$0x3] =	sbarrier.arrive $0xFFFF  }
0xa0: {  	_ =	shalt  }

</sc_bundles>
